<compile_context>
chip_gen: v7x
topology: tpu7x:2x2x1
jax: 0.10.2.dev20260603
libtpu: 0.0.44.dev20260713+nightly
codegen_flags: <defaults>
</compile_context>

<pallas_src>
import numpy as np

import jax
import jax.numpy as jnp
from jax.experimental import pallas as pl
from jax.experimental.pallas import tpu as pltpu

C = 96
H = 512
W = 512
R = 16
NB = H // R
BL = R * W


def _conv_block(x34, wt, tap0):
    acc = None
    for kh in range(3):
        tap = kh * 3 + tap0
        wk = wt[:, tap * C:tap * C + C]
        xk = x34[:, kh * W:kh * W + BL]
        d = jax.lax.dot_general(wk, xk, (((1,), (0,)), ((), ())),
                                preferred_element_type=jnp.float32)
        acc = d if acc is None else acc + d
    return acc


def _kernel(up_ref, x_ref, dn_ref, wt_ref, spa_ref, cm_ref, b_ref, out_ref):
    i = pl.program_id(0)
    up = up_ref[...] * jnp.where(i == 0, 0.0, 1.0)
    dn = dn_ref[...] * jnp.where(i == NB - 1, 0.0, 1.0)
    x34 = jnp.concatenate([up, x_ref[...], dn], axis=1).astype(jnp.bfloat16)
    wt = wt_ref[...].astype(jnp.bfloat16)

    col = jax.lax.broadcasted_iota(jnp.int32, (1, BL), 1) % W
    m0 = (col != 0).astype(jnp.float32)
    m1 = (col != W - 1).astype(jnp.float32)

    acc = _conv_block(x34, wt, 1)
    t0 = _conv_block(x34, wt, 0)
    z = jnp.zeros((C, 1), dtype=jnp.float32)
    sr = jnp.concatenate([z, t0[:, :-1]], axis=1)
    acc = acc + sr * m0
    t2 = _conv_block(x34, wt, 2)
    sl = jnp.concatenate([t2[:, 1:], z], axis=1)
    acc = acc + sl * m1

    fea = acc + b_ref[...]
    scale = cm_ref[:, 0:1] * spa_ref[...] + cm_ref[:, 1:2]
    out_ref[...] = jnp.maximum(fea * scale, 0.0)


def kernel(x0, spa_mask, Wc, b, ch_mask):
    u = jax.random.uniform(jax.random.key(1234), ch_mask.shape,
                           minval=1e-8, maxval=1.0 - 1e-8)
    g = -jnp.log(-jnp.log(u))
    cm = jax.nn.softmax((ch_mask + g) / 1.0, axis=-1)

    xf = x0.reshape(C, H * W)
    spa = spa_mask.reshape(1, H * W)
    wc2 = Wc.reshape(C, C * 9)
    cm2 = cm.reshape(C, 2)
    bb = b.reshape(C, 1)

    sel = np.zeros((C * 9, C * 9), dtype=np.float32)
    for tap in range(9):
        for ci in range(C):
            sel[ci * 9 + tap, tap * C + ci] = 1.0
    wt = jnp.dot(wc2, jnp.asarray(sel))

    out = pl.pallas_call(
        _kernel,
        grid=(NB,),
        in_specs=[
            pl.BlockSpec((C, W), lambda i: (0, jnp.maximum(i * R - 1, 0))),
            pl.BlockSpec((C, BL), lambda i: (0, i)),
            pl.BlockSpec((C, W), lambda i: (0, jnp.minimum(i * R + R, H - 1))),
            pl.BlockSpec((C, C * 9), lambda i: (0, 0)),
            pl.BlockSpec((1, BL), lambda i: (0, i)),
            pl.BlockSpec((C, 2), lambda i: (0, 0)),
            pl.BlockSpec((C, 1), lambda i: (0, 0)),
        ],
        out_specs=pl.BlockSpec((C, BL), lambda i: (0, i)),
        out_shape=jax.ShapeDtypeStruct((C, H * W), jnp.float32),
        compiler_params=pltpu.CompilerParams(
            dimension_semantics=("parallel",)),
    )(xf, xf, xf, wt, spa, cm2, bb)

    return (out.reshape(1, C, H, W), cm)

# --- scband reference (transcript-rebuilt; emitter-appended) ---
"""Pipeline reference for scband-masked-conv2d-69569880261013 (READ-ONLY COPY).

The authoritative reference and input builder live on the scoring server;
editing this copy changes nothing except your own understanding.
"""

import jax, jax.numpy as jnp
import numpy as np

C_IN = 96
C_OUT = 96
H = 512
W_ = 512
K = 3
TAU = 1.0


def _gumbel_softmax(x, tau, key):
    # faithful to torch gumbel_softmax helper: u ~ U(0,1) strictly positive,
    # g = -log(-log(u)), softmax((x + g) / tau) over last dim
    u = jax.random.uniform(key, x.shape, minval=1e-8, maxval=1.0 - 1e-8)
    g = -jnp.log(-jnp.log(u))
    return jax.nn.softmax((x + g) / tau, axis=-1)


def setup_inputs(seed: int = 0) -> dict:
    key = jax.random.key(seed)
    k1, k2, k3, k4 = jax.random.split(key, 4)
    x0 = jax.random.normal(k1, (1, C_IN, H, W_), dtype=jnp.float32)
    spa_mask = jax.random.uniform(k2, (1, 1, H, W_), dtype=jnp.float32)
    # conv weight: xavier_uniform_ as in torch init
    fan_in = C_IN * K * K
    fan_out = C_OUT * K * K
    limit = float(np.sqrt(6.0 / (fan_in + fan_out)))
    Wc = jax.random.uniform(k3, (C_OUT, C_IN, K, K), minval=-limit, maxval=limit, dtype=jnp.float32)
    b = jnp.full((C_OUT,), 0.01, dtype=jnp.float32)
    ch_mask = jax.random.uniform(k4, (1, C_OUT, 2), dtype=jnp.float32)
    return {"x0": x0, "spa_mask": spa_mask, "Wc": Wc, "b": b, "ch_mask": ch_mask}


def reference(x0, spa_mask, Wc, b, ch_mask):
    # training-branch forward of MaskedConv2d:
    #   cm = gumbel_softmax(ch_mask, last_dim, tau)
    #   fea = conv(x0)
    #   fea = fea * cm[...,0] * spa_mask + fea * cm[...,1]
    #   fea = relu(fea); return (fea, cm)
    cm = _gumbel_softmax(ch_mask, TAU, jax.random.key(1234))
    fea = jax.lax.conv_general_dilated(
        x0, Wc,
        window_strides=(1, 1),
        padding=((1, 1), (1, 1)),
        dimension_numbers=("NCHW", "OIHW", "NCHW"),
    )
    fea = fea + b[None, :, None, None]
    m_sparse = cm[:, :, 0][:, :, None, None]  # (1, C_out, 1, 1)
    m_dense = cm[:, :, 1][:, :, None, None]
    fea = fea * m_sparse * spa_mask + fea * m_dense
    fea = jax.nn.relu(fea)
    return (fea, cm)

if __name__ == "__main__":
    import jax
    _d = setup_inputs()
    print(jax.jit(kernel)(*tuple(_d.values())))

</pallas_src>

<mosaic_0001>
module attributes {stable_mosaic.version = 14 : i64} {
  func.func @_kernel(%arg0: i32, %arg1: memref<96x512xf32, #tpu.memory_space<vmem>>, %arg2: memref<96x8192xf32, #tpu.memory_space<vmem>>, %arg3: memref<96x512xf32, #tpu.memory_space<vmem>>, %arg4: memref<96x864xf32, #tpu.memory_space<vmem>>, %arg5: memref<1x8192xf32, #tpu.memory_space<vmem>>, %arg6: memref<96x2xf32, #tpu.memory_space<vmem>>, %arg7: memref<96x1xf32, #tpu.memory_space<vmem>>, %arg8: memref<96x8192xf32, #tpu.memory_space<vmem>>) attributes {dimension_semantics = [#tpu.dimension_semantics<parallel>], iteration_bounds = array<i64: 32>, scalar_prefetch = 0 : i64, scratch_operands = 0 : i64, tpu.core_type = #tpu.core_type<tc>, window_params = [{transform_indices = @transform_0, window_bounds = array<i64: 96, 512>}, {transform_indices = @transform_1, window_bounds = array<i64: 96, 8192>}, {transform_indices = @transform_2, window_bounds = array<i64: 96, 512>}, {pipeline_mode = #tpu.pipeline_mode<synchronous>, transform_indices = @transform_3, window_bounds = array<i64: 96, 864>}, {transform_indices = @transform_4, window_bounds = array<i64: 1, 8192>}, {pipeline_mode = #tpu.pipeline_mode<synchronous>, transform_indices = @transform_5, window_bounds = array<i64: 96, 2>}, {pipeline_mode = #tpu.pipeline_mode<synchronous>, transform_indices = @transform_6, window_bounds = array<i64: 96, 1>}, {transform_indices = @transform_7, window_bounds = array<i64: 96, 8192>}]} {
    %get3A = arith.constant 0 : index
    %get3A_0 = arith.constant 0 : index
    %get3A_1 = vector.load %arg1[%get3A, %get3A_0] : memref<96x512xf32, #tpu.memory_space<vmem>>, vector<96x512xf32>
    %eq3A = arith.constant 0 : i32
    %eq3A_2 = arith.cmpi eq, %arg0, %eq3A : i32
    %jit3A = arith.constant 0.000000e+00 : f32
    %jit3A_3 = arith.constant 1.000000e+00 : f32
    %select_n3A = arith.select %eq3A_2, %jit3A, %jit3A_3 : f32
    %mul3A = vector.broadcast %select_n3A : f32 to vector<96x512xf32>
    %mul3A_4 = arith.mulf %get3A_1, %mul3A : vector<96x512xf32>
    %get3A_5 = arith.constant 0 : index
    %get3A_6 = arith.constant 0 : index
    %get3A_7 = vector.load %arg3[%get3A_5, %get3A_6] : memref<96x512xf32, #tpu.memory_space<vmem>>, vector<96x512xf32>
    %eq3A_8 = arith.constant 31 : i32
    %eq3A_9 = arith.cmpi eq, %arg0, %eq3A_8 : i32
    %jit3A_10 = arith.constant 0.000000e+00 : f32
    %jit3A_11 = arith.constant 1.000000e+00 : f32
    %select_n3A_12 = arith.select %eq3A_9, %jit3A_10, %jit3A_11 : f32
    %mul3A_13 = vector.broadcast %select_n3A_12 : f32 to vector<96x512xf32>
    %mul3A_14 = arith.mulf %get3A_7, %mul3A_13 : vector<96x512xf32>
    %get3A_15 = arith.constant 0 : index
    %get3A_16 = arith.constant 0 : index
    %get3A_17 = vector.load %arg2[%get3A_15, %get3A_16] : memref<96x8192xf32, #tpu.memory_space<vmem>>, vector<96x8192xf32>
    %concatenate3A = tpu.concatenate %mul3A_4, %get3A_17, %mul3A_14 in 1 : vector<96x512xf32>, vector<96x8192xf32>, vector<96x512xf32> -> vector<96x9216xf32>
    %convert_element_type3A = arith.truncf %concatenate3A : vector<96x9216xf32> to vector<96x9216xbf16>
    %get3A_18 = arith.constant 0 : index
    %get3A_19 = arith.constant 0 : index
    %get3A_20 = vector.load %arg4[%get3A_18, %get3A_19] : memref<96x864xf32, #tpu.memory_space<vmem>>, vector<96x864xf32>
    %convert_element_type3A_21 = arith.truncf %get3A_20 : vector<96x864xf32> to vector<96x864xbf16>
    %iota3A = tpu.iota {dimensions = array<i32: 1>} : vector<1x8192xi32>
    %jit3A_22 = arith.constant 512 : i32
    %eq3A_23 = arith.constant 0 : i32
    %eq3A_24 = arith.cmpi eq, %jit3A_22, %eq3A_23 : i32
    %jit3A_25 = arith.constant 1 : i32
    %select_n3A_26 = arith.select %eq3A_24, %jit3A_25, %jit3A_22 : i32
    %rem3A = vector.broadcast %select_n3A_26 : i32 to vector<1x8192xi32>
    %rem3A_27 = arith.remsi %iota3A, %rem3A : vector<1x8192xi32>
    %ne3A = arith.constant 0 : i32
    %ne3A_28 = vector.broadcast %ne3A : i32 to vector<1x8192xi32>
    %ne3A_29 = arith.cmpi ne, %rem3A_27, %ne3A_28 : vector<1x8192xi32>
    %lt3A = arith.constant 0 : i32
    %lt3A_30 = vector.broadcast %lt3A : i32 to vector<1x8192xi32>
    %lt3A_31 = arith.cmpi slt, %rem3A_27, %lt3A_30 : vector<1x8192xi32>
    %lt3A_32 = arith.constant 0 : i32
    %lt3A_33 = arith.cmpi slt, %select_n3A_26, %lt3A_32 : i32
    %ne3A_34 = vector.broadcast %lt3A_33 : i1 to vector<1x8192xi1>
    %ne3A_35 = vector.broadcast %ne3A_34 : vector<1x8192xi1> to vector<1x8192xi1>
    %ne3A_36 = arith.xori %lt3A_31, %ne3A_35 : vector<1x8192xi1>
    %and3A = arith.andi %ne3A_36, %ne3A_29 : vector<1x8192xi1>
    %add3A = vector.broadcast %select_n3A_26 : i32 to vector<1x8192xi32>
    %add3A_37 = arith.addi %rem3A_27, %add3A : vector<1x8192xi32>
    %select_n3A_38 = arith.select %and3A, %add3A_37, %rem3A_27 : vector<1x8192xi1>, vector<1x8192xi32>
    %ne3A_39 = arith.constant 0 : i32
    %ne3A_40 = vector.broadcast %ne3A_39 : i32 to vector<1x8192xi32>
    %ne3A_41 = arith.cmpi ne, %select_n3A_38, %ne3A_40 : vector<1x8192xi32>
    %convert_element_type3A_42 = arith.extui %ne3A_41 : vector<1x8192xi1> to vector<1x8192xi32>
    %convert_element_type3A_43 = arith.sitofp %convert_element_type3A_42 : vector<1x8192xi32> to vector<1x8192xf32>
    %ne3A_44 = arith.constant 511 : i32
    %ne3A_45 = vector.broadcast %ne3A_44 : i32 to vector<1x8192xi32>
    %ne3A_46 = arith.cmpi ne, %select_n3A_38, %ne3A_45 : vector<1x8192xi32>
    %convert_element_type3A_47 = arith.extui %ne3A_46 : vector<1x8192xi1> to vector<1x8192xi32>
    %convert_element_type3A_48 = arith.sitofp %convert_element_type3A_47 : vector<1x8192xi32> to vector<1x8192xf32>
    %slice3A = vector.extract_strided_slice %convert_element_type3A_21 {offsets = [0, 96], sizes = [96, 96], strides = [1, 1]} : vector<96x864xbf16> to vector<96x96xbf16>
    %slice3A_49 = vector.extract_strided_slice %convert_element_type3A {offsets = [0, 0], sizes = [96, 8192], strides = [1, 1]} : vector<96x9216xbf16> to vector<96x8192xbf16>
    %dot_general3A = arith.constant dense<0.000000e+00> : vector<96x8192xf32>
    %dot_general3A_50 = tpu.matmul %slice3A, %slice3A_49, %dot_general3A {dimension_numbers = #tpu.dot_dimension_numbers<[1], [0], [0], [1], [0, 0, 1, 1], [], []>, transpose_lhs_hint = false} : vector<96x96xbf16>, vector<96x8192xbf16>, vector<96x8192xf32> -> vector<96x8192xf32>
    %slice3A_51 = vector.extract_strided_slice %convert_element_type3A_21 {offsets = [0, 384], sizes = [96, 96], strides = [1, 1]} : vector<96x864xbf16> to vector<96x96xbf16>
    %slice3A_52 = vector.extract_strided_slice %convert_element_type3A {offsets = [0, 512], sizes = [96, 8192], strides = [1, 1]} : vector<96x9216xbf16> to vector<96x8192xbf16>
    %dot_general3A_53 = arith.constant dense<0.000000e+00> : vector<96x8192xf32>
    %dot_general3A_54 = tpu.matmul %slice3A_51, %slice3A_52, %dot_general3A_53 {dimension_numbers = #tpu.dot_dimension_numbers<[1], [0], [0], [1], [0, 0, 1, 1], [], []>, transpose_lhs_hint = false} : vector<96x96xbf16>, vector<96x8192xbf16>, vector<96x8192xf32> -> vector<96x8192xf32>
    %add3A_55 = arith.addf %dot_general3A_50, %dot_general3A_54 : vector<96x8192xf32>
    %slice3A_56 = vector.extract_strided_slice %convert_element_type3A_21 {offsets = [0, 672], sizes = [96, 96], strides = [1, 1]} : vector<96x864xbf16> to vector<96x96xbf16>
    %slice3A_57 = vector.extract_strided_slice %convert_element_type3A {offsets = [0, 1024], sizes = [96, 8192], strides = [1, 1]} : vector<96x9216xbf16> to vector<96x8192xbf16>
    %dot_general3A_58 = arith.constant dense<0.000000e+00> : vector<96x8192xf32>
    %dot_general3A_59 = tpu.matmul %slice3A_56, %slice3A_57, %dot_general3A_58 {dimension_numbers = #tpu.dot_dimension_numbers<[1], [0], [0], [1], [0, 0, 1, 1], [], []>, transpose_lhs_hint = false} : vector<96x96xbf16>, vector<96x8192xbf16>, vector<96x8192xf32> -> vector<96x8192xf32>
    %add3A_60 = arith.addf %add3A_55, %dot_general3A_59 : vector<96x8192xf32>
    %slice3A_61 = vector.extract_strided_slice %convert_element_type3A_21 {offsets = [0, 0], sizes = [96, 96], strides = [1, 1]} : vector<96x864xbf16> to vector<96x96xbf16>
    %slice3A_62 = vector.extract_strided_slice %convert_element_type3A {offsets = [0, 0], sizes = [96, 8192], strides = [1, 1]} : vector<96x9216xbf16> to vector<96x8192xbf16>
    %dot_general3A_63 = arith.constant dense<0.000000e+00> : vector<96x8192xf32>
    %dot_general3A_64 = tpu.matmul %slice3A_61, %slice3A_62, %dot_general3A_63 {dimension_numbers = #tpu.dot_dimension_numbers<[1], [0], [0], [1], [0, 0, 1, 1], [], []>, transpose_lhs_hint = false} : vector<96x96xbf16>, vector<96x8192xbf16>, vector<96x8192xf32> -> vector<96x8192xf32>
    %slice3A_65 = vector.extract_strided_slice %convert_element_type3A_21 {offsets = [0, 288], sizes = [96, 96], strides = [1, 1]} : vector<96x864xbf16> to vector<96x96xbf16>
    %slice3A_66 = vector.extract_strided_slice %convert_element_type3A {offsets = [0, 512], sizes = [96, 8192], strides = [1, 1]} : vector<96x9216xbf16> to vector<96x8192xbf16>
    %dot_general3A_67 = arith.constant dense<0.000000e+00> : vector<96x8192xf32>
    %dot_general3A_68 = tpu.matmul %slice3A_65, %slice3A_66, %dot_general3A_67 {dimension_numbers = #tpu.dot_dimension_numbers<[1], [0], [0], [1], [0, 0, 1, 1], [], []>, transpose_lhs_hint = false} : vector<96x96xbf16>, vector<96x8192xbf16>, vector<96x8192xf32> -> vector<96x8192xf32>
    %add3A_69 = arith.addf %dot_general3A_64, %dot_general3A_68 : vector<96x8192xf32>
    %slice3A_70 = vector.extract_strided_slice %convert_element_type3A_21 {offsets = [0, 576], sizes = [96, 96], strides = [1, 1]} : vector<96x864xbf16> to vector<96x96xbf16>
    %slice3A_71 = vector.extract_strided_slice %convert_element_type3A {offsets = [0, 1024], sizes = [96, 8192], strides = [1, 1]} : vector<96x9216xbf16> to vector<96x8192xbf16>
    %dot_general3A_72 = arith.constant dense<0.000000e+00> : vector<96x8192xf32>
    %dot_general3A_73 = tpu.matmul %slice3A_70, %slice3A_71, %dot_general3A_72 {dimension_numbers = #tpu.dot_dimension_numbers<[1], [0], [0], [1], [0, 0, 1, 1], [], []>, transpose_lhs_hint = false} : vector<96x96xbf16>, vector<96x8192xbf16>, vector<96x8192xf32> -> vector<96x8192xf32>
    %add3A_74 = arith.addf %add3A_69, %dot_general3A_73 : vector<96x8192xf32>
    %broadcast_in_dim3A = arith.constant 0.000000e+00 : f32
    %broadcast_in_dim3A_75 = vector.broadcast %broadcast_in_dim3A : f32 to vector<96x1xf32>
    %slice3A_76 = vector.extract_strided_slice %add3A_74 {offsets = [0, 0], sizes = [96, 8191], strides = [1, 1]} : vector<96x8192xf32> to vector<96x8191xf32>
    %concatenate3A_77 = tpu.concatenate %broadcast_in_dim3A_75, %slice3A_76 in 1 : vector<96x1xf32>, vector<96x8191xf32> -> vector<96x8192xf32>
    %mul3A_78 = vector.broadcast %convert_element_type3A_43 : vector<1x8192xf32> to vector<96x8192xf32>
    %mul3A_79 = arith.mulf %concatenate3A_77, %mul3A_78 : vector<96x8192xf32>
    %add3A_80 = arith.addf %add3A_60, %mul3A_79 : vector<96x8192xf32>
    %slice3A_81 = vector.extract_strided_slice %convert_element_type3A_21 {offsets = [0, 192], sizes = [96, 96], strides = [1, 1]} : vector<96x864xbf16> to vector<96x96xbf16>
    %slice3A_82 = vector.extract_strided_slice %convert_element_type3A {offsets = [0, 0], sizes = [96, 8192], strides = [1, 1]} : vector<96x9216xbf16> to vector<96x8192xbf16>
    %dot_general3A_83 = arith.constant dense<0.000000e+00> : vector<96x8192xf32>
    %dot_general3A_84 = tpu.matmul %slice3A_81, %slice3A_82, %dot_general3A_83 {dimension_numbers = #tpu.dot_dimension_numbers<[1], [0], [0], [1], [0, 0, 1, 1], [], []>, transpose_lhs_hint = false} : vector<96x96xbf16>, vector<96x8192xbf16>, vector<96x8192xf32> -> vector<96x8192xf32>
    %slice3A_85 = vector.extract_strided_slice %convert_element_type3A_21 {offsets = [0, 480], sizes = [96, 96], strides = [1, 1]} : vector<96x864xbf16> to vector<96x96xbf16>
    %slice3A_86 = vector.extract_strided_slice %convert_element_type3A {offsets = [0, 512], sizes = [96, 8192], strides = [1, 1]} : vector<96x9216xbf16> to vector<96x8192xbf16>
    %dot_general3A_87 = arith.constant dense<0.000000e+00> : vector<96x8192xf32>
    %dot_general3A_88 = tpu.matmul %slice3A_85, %slice3A_86, %dot_general3A_87 {dimension_numbers = #tpu.dot_dimension_numbers<[1], [0], [0], [1], [0, 0, 1, 1], [], []>, transpose_lhs_hint = false} : vector<96x96xbf16>, vector<96x8192xbf16>, vector<96x8192xf32> -> vector<96x8192xf32>
    %add3A_89 = arith.addf %dot_general3A_84, %dot_general3A_88 : vector<96x8192xf32>
    %slice3A_90 = vector.extract_strided_slice %convert_element_type3A_21 {offsets = [0, 768], sizes = [96, 96], strides = [1, 1]} : vector<96x864xbf16> to vector<96x96xbf16>
    %slice3A_91 = vector.extract_strided_slice %convert_element_type3A {offsets = [0, 1024], sizes = [96, 8192], strides = [1, 1]} : vector<96x9216xbf16> to vector<96x8192xbf16>
    %dot_general3A_92 = arith.constant dense<0.000000e+00> : vector<96x8192xf32>
    %dot_general3A_93 = tpu.matmul %slice3A_90, %slice3A_91, %dot_general3A_92 {dimension_numbers = #tpu.dot_dimension_numbers<[1], [0], [0], [1], [0, 0, 1, 1], [], []>, transpose_lhs_hint = false} : vector<96x96xbf16>, vector<96x8192xbf16>, vector<96x8192xf32> -> vector<96x8192xf32>
    %add3A_94 = arith.addf %add3A_89, %dot_general3A_93 : vector<96x8192xf32>
    %slice3A_95 = vector.extract_strided_slice %add3A_94 {offsets = [0, 1], sizes = [96, 8191], strides = [1, 1]} : vector<96x8192xf32> to vector<96x8191xf32>
    %concatenate3A_96 = tpu.concatenate %slice3A_95, %broadcast_in_dim3A_75 in 1 : vector<96x8191xf32>, vector<96x1xf32> -> vector<96x8192xf32>
    %mul3A_97 = vector.broadcast %convert_element_type3A_48 : vector<1x8192xf32> to vector<96x8192xf32>
    %mul3A_98 = arith.mulf %concatenate3A_96, %mul3A_97 : vector<96x8192xf32>
    %add3A_99 = arith.addf %add3A_80, %mul3A_98 : vector<96x8192xf32>
    %get3A_100 = arith.constant 0 : index
    %get3A_101 = arith.constant 0 : index
    %get3A_102 = vector.load %arg7[%get3A_100, %get3A_101] : memref<96x1xf32, #tpu.memory_space<vmem>>, vector<96x1xf32>
    %add3A_103 = vector.broadcast %get3A_102 : vector<96x1xf32> to vector<96x8192xf32>
    %add3A_104 = arith.addf %add3A_99, %add3A_103 : vector<96x8192xf32>
    %get3A_105 = arith.constant 0 : index
    %get3A_106 = arith.constant 0 : index
    %get3A_107 = vector.load %arg6[%get3A_105, %get3A_106] : memref<96x2xf32, #tpu.memory_space<vmem>>, vector<96x1xf32>
    %get3A_108 = arith.constant 0 : index
    %get3A_109 = arith.constant 0 : index
    %get3A_110 = vector.load %arg5[%get3A_108, %get3A_109] : memref<1x8192xf32, #tpu.memory_space<vmem>>, vector<1x8192xf32>
    %mul3A_111 = vector.broadcast %get3A_107 : vector<96x1xf32> to vector<96x8192xf32>
    %mul3A_112 = vector.broadcast %get3A_110 : vector<1x8192xf32> to vector<96x8192xf32>
    %mul3A_113 = arith.mulf %mul3A_111, %mul3A_112 : vector<96x8192xf32>
    %get3A_114 = arith.constant 0 : index
    %get3A_115 = arith.constant 1 : index
    %get3A_116 = vector.load %arg6[%get3A_114, %get3A_115] : memref<96x2xf32, #tpu.memory_space<vmem>>, vector<96x1xf32>
    %add3A_117 = vector.broadcast %get3A_116 : vector<96x1xf32> to vector<96x8192xf32>
    %add3A_118 = arith.addf %mul3A_113, %add3A_117 : vector<96x8192xf32>
    %mul3A_119 = arith.mulf %add3A_104, %add3A_118 : vector<96x8192xf32>
    %max3A = arith.constant 0.000000e+00 : f32
    %max3A_120 = vector.broadcast %max3A : f32 to vector<96x8192xf32>
    %max3A_121 = arith.maximumf %mul3A_119, %max3A_120 : vector<96x8192xf32>
    %swap3A = arith.constant 0 : index
    %swap3A_122 = arith.constant 0 : index
    %swap3A_123 = vector.load %arg8[%swap3A, %swap3A_122] : memref<96x8192xf32, #tpu.memory_space<vmem>>, vector<96x8192xf32>
    tpu.vector_store %arg8[%swap3A, %swap3A_122], %max3A_121 {strides = array<i32>} : memref<96x8192xf32, #tpu.memory_space<vmem>>, vector<96x8192xf32>,
    return
  }
  func.func @transform_0(%arg0: i32) -> (i32, i32) {
    %mul3A = arith.constant 16 : i32
    %mul3A_0 = arith.muli %arg0, %mul3A : i32
    %sub3A = arith.constant 1 : i32
    %sub3A_1 = arith.subi %mul3A_0, %sub3A : i32
    %max3A = arith.constant 0 : i32
    %max3A_2 = arith.maxsi %sub3A_1, %max3A : i32
    %c0_i32 = arith.constant 0 : i32
    %c0_i32_3 = arith.constant 0 : i32
    return %c0_i32, %max3A_2 : i32, i32
  }
  func.func @transform_1(%arg0: i32) -> (i32, i32) {
    %c0_i32 = arith.constant 0 : i32
    %c0_i32_0 = arith.constant 0 : i32
    return %c0_i32, %arg0 : i32, i32
  }
  func.func @transform_2(%arg0: i32) -> (i32, i32) {
    %mul3A = arith.constant 16 : i32
    %mul3A_0 = arith.muli %arg0, %mul3A : i32
    %add3A = arith.constant 16 : i32
    %add3A_1 = arith.addi %mul3A_0, %add3A : i32
    %min3A = arith.constant 511 : i32
    %min3A_2 = arith.minsi %add3A_1, %min3A : i32
    %c0_i32 = arith.constant 0 : i32
    %c0_i32_3 = arith.constant 0 : i32
    return %c0_i32, %min3A_2 : i32, i32
  }
  func.func @transform_3(%arg0: i32) -> (i32, i32) {
    %c0_i32 = arith.constant 0 : i32
    %c0_i32_0 = arith.constant 0 : i32
    %c0_i32_1 = arith.constant 0 : i32
    return %c0_i32, %c0_i32_0 : i32, i32
  }
  func.func @transform_4(%arg0: i32) -> (i32, i32) {
    %c0_i32 = arith.constant 0 : i32
    %c0_i32_0 = arith.constant 0 : i32
    return %c0_i32, %arg0 : i32, i32
  }
  func.func @transform_5(%arg0: i32) -> (i32, i32) {
    %c0_i32 = arith.constant 0 : i32
    %c0_i32_0 = arith.constant 0 : i32
    %c0_i32_1 = arith.constant 0 : i32
    return %c0_i32, %c0_i32_0 : i32, i32
  }
  func.func @transform_6(%arg0: i32) -> (i32, i32) {
    %c0_i32 = arith.constant 0 : i32
    %c0_i32_0 = arith.constant 0 : i32
    %c0_i32_1 = arith.constant 0 : i32
    return %c0_i32, %c0_i32_0 : i32, i32
  }
  func.func @transform_7(%arg0: i32) -> (i32, i32) {
    %c0_i32 = arith.constant 0 : i32
    %c0_i32_0 = arith.constant 0 : i32
    return %c0_i32, %arg0 : i32, i32
  }
}

</mosaic_0001>

<sc_bundles>
// kernel: sparse-core-data-format-call.1.cloned.1.call-start
scs
called_computation.1_lowered:
.L_overlay_start_0:
0x0: {  	s2 =	sld [smem:$0x3FD9]  }
0x1: {  	s3 =	sld [smem:$0x3FFE];
	_ =	sdelay $0x1  }
0x2: {  	s1 =	srdreg.scid  }
0x3: {  	s0 =	sand.u32 $0x1, s1  }
0x4: {  	s16 =	sshll.u32 s0, $0xA;
	s2 =	sadd.s32 s3, s2  }
0x5: {  	s2 =	sadd.s32 s2, s16  }
0x6: {  	[smem:$0x3FC3] =	sst s2  }
0x7: {  	_ = 	snop  }
0x8: {  	s2 =	sld [smem:$0x3FD0];
	_ =	sdelay $0x2  }
0x9: {  	s4 =	simm.s32 $0xA;
	s5 =	simm.s32 $0x10;
	s17 =	sld [smem:$0x3FC9]  }
0xa: {  	[smem:s5], [sflag:s4] =	dma.local [hbm:s2], $0x1  }
0xb: {  	_ =	swait.eq [sflag:s4], $0x1  }
0xc: {  	[sflag:s4] =	ssyncset.done $0x0  }
0xd: {  	[sflag:s4] =	ssyncadd.s32 $0xFFFFFFFF  }
0xe: {  	s18 =	sld [smem:$0x10];
	(tm) =	ssettm $0x1  }
0xf: {  	s19 =	sld [smem:$0x3FFB];
	_ =	sdelay $0x3  }
0x10: {  	_ =	strace s19  }
0x11: {  	s4 =	sld [smem:$0x3FFC];
	_ =	sdelay $0x3  }
0x12: {  	_ =	strace s4  }
0x13: {  	s4 =	sld [smem:$0x3FFD];
	_ =	sdelay $0x3  }
0x14: {  	_ =	strace s4  }
0x15: {  	_ =	strace $0x8FFFFFFF  }
0x16: {  	s20 =	sld [smem:$0x3FDB];
	_ =	sdelay $0x1  }
0x17: {  	s21 =	simm.s32 $_scs_section_size  }
0x18: {  	s6 =	simm.s32 $_size__tile_overlayer_lowered;
	s7 =	simm.s32 $_tile_overlayer_lowered  }
0x19: {  	s24 =	simm.s32 $0x1BFF;
	s23 =	sshll.u32 s7, $0x1;
	s4 =	sadd.s32 s21, s20  }
0x1a: {  	s8 =	simm.s32 $0x0;
	s22 =	sshll.u32 s6, $0x1;
	s6 =	sadd.s32 s23, s4  }
0x1b: {  	[timem:s8], [sflag:s24] =	dma.local [hbm:s6], s22  }
0x1c: {  	_ =	swait.ge [sflag:s24], s22  }
0x1d: {  	s5 =	ssub.s32 $0x0, s22;
	[sflag:s24] =	ssyncset.done $0x0  }
0x1e: {  	[sflag:s24] =	ssyncadd.s32 s5;
	_ =	sdelay $0x1  }
0x1f: {  	s25 =	simm.s32 $0x1B8B  }
0x20: {  	_ =	swait.ge [sflag:s25], $0x1  }
0x21: {  	[sflag:s25] =	ssyncset.done $0x0  }
0x22: {  	s26 =	simm.s32 $0x1B8E;
	[sflag:s25] =	ssyncadd.s32 $0xFFFFFFFF  }
0x23: {  	s27 =	simm.s32 $execute0_lowered;
	[smem:$0x3FD2] =	sst s26  }
0x24: {  	s5 =	sshll.u32 s27, $0x1;
	_ =	strace $0x80000046;
	[dreg:$0x1] =	wrdreg $0xFFFFFFFF  }
0x25: {  	s28 =	simm.s32 $_size_execute0_lowered;
	s4 =	sadd.s32 s4, s5;
	[dreg:$0x0] =	wrdreg $0x0  }
0x26: {  	s5 =	sshll.u32 s28, $0x1;
	[dreg:$0x2] =	wrdreg s4  }
0x27: {  	[dreg:$0x3] =	wrdreg s5  }
0x28: {  	[dreg:$0x4] =	wrdreg $0xC0  }
0x29: {  	_ =	task [dreg:s8], $0x5FFFF  }
0x2a: {  	[dreg:$0x1] =	wrdreg $0xFFFFFFFF  }
0x2b: {  	[dreg:$0x0] =	wrdreg $0x60  }
0x2c: {  	[dreg:$0x2] =	wrdreg s17  }
0x2d: {  	[dreg:$0x3] =	wrdreg s18  }
0x2e: {  	[dreg:$0x4] =	wrdreg $0x9  }
0x2f: {  	_ =	task.clear_ibuf [dreg:s8], $0x5FFFF;
	_ =	strace $0x90000046  }
0x30: {  	s29 =	simm.s32 $0x9;
	_ =	strace $0x80000048  }
0x31: {  	_ =	swait.ge [sflag:s29], $0x1  }
0x32: {  	[sflag:s29] =	ssyncadd.s32 $0xFFFFFFFF  }
0x33: {  	_ =	strace $0x90000048  }
0x34: {  	_ =	sfence  }
0x35: {  	s30 =	sld [smem:$0x0];
	_ =	sdelay $0x2  }
0x36: {  	s31 =	sshll.u32 s1, $0xD;
	s1 =	sshrl.u32 s1, $0x2  }
0x37: {  	s3 =	sand.u32 $0x4000, s31;
	s1 =	sadd.s32 s1, s30  }
0x38: {  	s0 =	sor.u32 s3, s0;
	s1 =	sshll.u32 s1, $0x11  }
0x39: {  	s0 =	sor.u32 s1, s0  }
0x3a: {  	s0 =	sadd.s32 $0x8F2B, s0  }
0x3b: {  	[sflag:s0] =	ssyncadd.remote.s32 $0x1  }
0x3c: {  	_ =	sfence.sel $0xFFFF  }
0x3d: {  	[dreg:$0x0] =	wrdreg $0xFFFFFFFF;
	(pc) =	sbr.abs _section_cstart, $3  }
0x3e: {  	[dreg:$0x1] =	wrdreg $0xFFFFFFFF  }
0x3f: {  	_ =	task.clear_ibuf [dreg:s8], $0x2FFFF;
	_ =	strace $0x9FFFFFFF  }
0x40: {  	(tm) =	ssettm $0x7FFFFFFF  }
0x41: {  	_ =	shalt  }
tec
execute0_lowered:
.L_overlay_start_1:
0x0: {  	(tag) =	ssettag $0x1  }
0x1: {  	s0 =	stileid.u32  }
0x2: {  	s1 =	srdreg.scid;
	s3 =	rddreg [dreg:$0x0]  }
0x3: {  	s5 =	simm.s32 $0x1;
	s2 =	sshll.u32 s0, $0x4;
	s1 =	sshll.u32 s1, $0x8  }
0x4: {  	s8 =	simm.s32 $0x2;
	s16 =	simm.s32 $0x0;
	s1 =	sor.u32 s2, s1  }
0x5: {  	s9 =	simm.s32 $0x1000;
	s10 =	simm.s32 $0x0;
	s2 =	sand.u32 $0x180, s1  }
0x6: {  	s17 =	simm.s32 $0x0;
	s19 =	simm.s32 $0x0;
	s1 =	ssub.s32 $0x200, s2  }
0x7: {  	s18 =	simm.s32 $0x0;
	s11 =	simm.s32 $0x0;
	s4 =	sand.u32 $0x180, s1  }
0x8: {  	s14 =	simm.s32 $0x0;
	s6 =	sshrl.u32 s1, $0x9;
	p0 =	sne.s32 s4, $0x0  }
.Ltmp0:
0x9: {  	s1 =	rddreg [dreg:$0x2];
	s5 =	simm.s32 @!p0 $0x0;
	(pc) =	sbr.rel .LBB1_1-.Ltmp0, $4  }
0xa: {  	s7 =	sand.u32 $0x7, s0;
	s4 =	rddreg [dreg:$0x1];
	s6 =	sadd.s32 s5, s6  }
0xb: {  	_ =	strace $0x80000047;
	s5 =	simm.s32 $0x1;
	s6 =	smul.u32 $0x30, s6  }
0xc: {  	s15 =	simm.s32 $0x0;
	s13 =	smov.u32 s7;
	[sflag:s5] =	ssyncpa.u1 $0x0  }
0xd: {  	s12 =	smov.u32 s2;
	[sflag:s8] =	ssyncpa.u1 $0x0;
	s8 =	sor.u32 $0x1, s6  }
.LBB1_4:
0xe: {  	_ =	sdelay $0x3  }
0xf: {  	[tilespmem:v0+s22+$0xFFFFFFA0 ss:$0x1] =	vst.idx.msk $0xffff, v6  }
0x10: {  	v56 =	vld.idx.msk [tilespmem:v1+s21+$0x30 ss:$0x1], $0xffff;
	[tilespmem:v0+s22+$0xFFFFFFB0 ss:$0x1] =	vst.idx.msk $0xffff, v4  }
0x11: {  	v57 =	vld.idx.msk [tilespmem:v1+s21+$0xFFFFFFC0 ss:$0x1], $0xffff;
	[tilespmem:v0+s22+$0xFFFFFFC0 ss:$0x1] =	vst.idx.msk $0xffff, v2  }
0x12: {  	v58 =	vld.idx.msk [tilespmem:v1+s21+$0xFFFFFFD0 ss:$0x1], $0xffff;
	[tilespmem:v0+s22+$0xFFFFFFD0 ss:$0x1] =	vst.idx.msk $0xffff, v3  }
0x13: {  	v59 =	vld.idx.msk [tilespmem:v1+s21+$0xFFFFFFE0 ss:$0x1], $0xffff;
	[tilespmem:v0+s22+$0xFFFFFFE0 ss:$0x1] =	vst.idx.msk $0xffff, v5  }
0x14: {  	v60 =	vld.idx.msk [tilespmem:v1+s21+$0xFFFFFFF0 ss:$0x1], $0xffff;
	[tilespmem:v0+s22+$0xFFFFFFF0 ss:$0x1] =	vst.idx.msk $0xffff, v7  }
0x15: {  	v61 =	vld.idx.msk [tilespmem:v1+s21+$0x0 ss:$0x1], $0xffff;
	[tilespmem:v0+s21+$0x0 ss:$0x1] =	vst.idx.msk $0xffff, v56  }
0x16: {  	v62 =	vld.idx.msk [tilespmem:v1+s21+$0x10 ss:$0x1], $0xffff;
	[tilespmem:v0+s21+$0xFFFFFF90 ss:$0x1] =	vst.idx.msk $0xffff, v57  }
0x17: {  	s19 =	sshll.u32 s19, $0x7;
	v63 =	vld.idx.msk [tilespmem:v1+s21+$0x20 ss:$0x1], $0xffff;
	s29 =	sand.u32 $0x78, s16;
	[tilespmem:v0+s21+$0xFFFFFFA0 ss:$0x1] =	vst.idx.msk $0xffff, v58  }
0x18: {  	s30 =	sshll.u32 s16, $0x3;
	s18 =	sshll.u32 s18, $0x12;
	s19 =	sand.u32 $0x380, s19;
	[tilespmem:v0+s21+$0xFFFFFFB0 ss:$0x1] =	vst.idx.msk $0xffff, v59  }
0x19: {  	s17 =	sshll.u32 s17, $0x9;
	s22 =	sand.u32 $0xC00, s30;
	s19 =	sor.u32 s29, s19;
	[tilespmem:v0+s21+$0xFFFFFFC0 ss:$0x1] =	vst.idx.msk $0xffff, v60  }
0x1a: {  	s31 =	sand.u32 $0x7, s16;
	s18 =	sadd.s32 s4, s18;
	s19 =	sor.u32 s22, s19;
	[tilespmem:v0+s21+$0xFFFFFFD0 ss:$0x1] =	vst.idx.msk $0xffff, v61  }
0x1b: {  	s16 =	sshll.u32 s31, $0x12;
	s17 =	sadd.s32 s17, s18;
	s19 =	sshrl.u32 s19, $0x3;
	[tilespmem:v0+s21+$0xFFFFFFE0 ss:$0x1] =	vst.idx.msk $0xffff, v62  }
0x1c: {  	s16 =	sor.u32 $0x80, s16;
	[tilespmem:v0+s21+$0xFFFFFFF0 ss:$0x1] =	vst.idx.msk $0xffff, v63;
	s17 =	sadd.s32 s19, s17  }
0x1d: {  	[hbm4b:s17+s16] =	stream.strided.scatter [tilespmem:s20], [sflag:$0x2], $0x4000, s9, s16, $0x38;
	[tilespmem:$0x10000] =	vst v63  }
.LBB1_5:
0x1e: {  	s20 =	sadd.s32 $0x80, s11  }
0x1f: {  	s16 =	sadd.s32 $0x200, s12;
	s21 =	smov.u32 s12;
	p1 =	sgt.s32 s20, $0x1FF  }
0x20: {  	s21 =	smov.u32 @p1 s16  }
0x21: {  	s22 =	smov.u32 s13;
	s16 =	sadd.s32 $0x8, s13;
	p2 =	sgt.s32 s21, $0x1FF  }
0x22: {  	s22 =	smov.u32 @p2 s16  }
0x23: {  	s16 =	simm.s32 $0x1;
	p3 =	sgt.s32 s22, $0x7  }
0x24: {  	s16 =	simm.s32 @!p3 $0x0  }
0x25: {  	p0 =	slt.u32 s15, $0x2;
	s24 =	sadd.s32 s16, s14  }
0x26: {  	s17 =	smov.u32 s12;
	s20 =	simm.s32 @p1 $0x0;
	p1 =	sgt.s32 s24, $0xB  }
0x27: {  	s23 =	simm.s32 @!p0 $0x2;
	s24 =	simm.s32 @p1 $0x0;
	p1 =	sne.s32 s15, s8  }
.Ltmp1:
0x28: {  	s19 =	smov.u32 s13;
	_ =	swait.ge @!p0 [sflag:s23], $0x4000;
	(pc) =	sbr.rel @!p1 .LBB1_6-.Ltmp1, $4  }
0x29: {  	s18 =	smov.u32 s14;
	[sflag:s23] =	ssyncset.done @!p0 $0x0;
	s21 =	smov.u32 @p2 s2  }
0x2a: {  	s10 =	sadd.s32 $0x4000, s10;
	[sflag:s23] =	ssyncadd.s32 @!p0 $0xFFFFC000;
	s12 =	smov.u32 s21  }
0x2b: {  	s22 =	smov.u32 @p3 s7;
	s16 =	smov.u32 s11;
	s11 =	smov.u32 s20  }
0x2c: {  	s13 =	smov.u32 s22;
	s15 =	sadd.s32 $0x1, s15;
	s14 =	smov.u32 s24  }
.LBB1_1:
0x2d: {  	p0 =	sge.u32 s15, s6;
	s31 =	sadd.s32 $0xFFFFFFFF, s15  }
0x2e: {  	s20 =	sxor.u32 @!p0 $0xFFFFFFFF, s15;
	s21 =	sand.u32 @!p0 $0x78, s11;
	s22 =	sshll.u32 @!p0 s12, $0x9  }
0x2f: {  	s23 =	sshll.u32 @!p0 s11, $0x3;
	s24 =	sshll.u32 @!p0 s12, $0x7;
	s20 =	sshll.u32 @!p0 s20, $0xE  }
0x30: {  	s22 =	sand.u32 @!p0 $0x3F000, s22;
	s23 =	sand.u32 @!p0 $0x3FC00, s23;
	s20 =	sand.u32 @!p0 $0x4000, s20  }
0x31: {  	s22 =	sadd.s32 @!p0 s22, s23;
	s23 =	sand.u32 @!p0 $0x200, s24;
	s24 =	sand.u32 @!p0 $0x180, s24  }
0x32: {  	s22 =	sor.u32 @!p0 s23, s22;
	s21 =	sor.u32 @!p0 s21, s24;
	s23 =	sshll.u32 @!p0 s14, $0x12  }
0x33: {  	s24 =	sshll.u32 @!p0 s13, $0xF;
	s22 =	sshrl.u32 @!p0 s22, $0x3;
	s23 =	sadd.s32 @!p0 s3, s23  }
0x34: {  	s21 =	sshrl.u32 @!p0 s21, $0x3;
	s23 =	sadd.s32 @!p0 s24, s23;
	s24 =	sand.u32 @!p0 $0x7, s11  }
0x35: {  	s22 =	sand.u32 @!p0 $0x7FC0, s22;
	s21 =	sadd.s32 @!p0 s21, s23;
	s23 =	sshll.u32 @!p0 s24, $0x12  }
0x36: {  	s21 =	sadd.s32 @!p0 s22, s21;
	s22 =	sor.u32 @!p0 $0x400, s23;
	s23 =	simm.s32 @!p0 $0x1000  }
0x37: {  	[tilespmem:s20], [sflag:$0x1] =	stream.strided.gather @!p0 [hbm4b:s21+s22], $0x4000, s23, s22, $0x38;
	[tilespmem:$0x10000] =	vst v63  }
0x38: {  	p0 =	sge.u32 s31, s6  }
.Ltmp2:
0x39: {  	_ = 	snop;
	(pc) =	sbr.rel @p0 .LBB1_5-.Ltmp2, $1  }
0x3a: {  	_ =	sdelay $0x3  }
0x3b: {  	s20 =	sand.u32 $0x4000, s10  }
0x3c: {  	s21 =	sor.u32 $0x40, s20  }
0x3d: {  	v1 =	vmov s21;
	_ =	sdelay $0x1  }
0x3e: {  	_ =	swait.ge [sflag:s5], $0x4000  }
0x3f: {  	[sflag:s5] =	ssyncset.done $0x0  }
0x40: {  	s22 =	simm.s32 $0x0;
	[sflag:s5] =	ssyncadd.s32 $0xFFFFC000  }
0x41: {  	s20 =	sor.u32 $0x8070, s20;
	v7 =	vld.idx.msk [tilespmem:v1+s22+$0x30 ss:$0x1], $0xffff  }
0x42: {  	v0 =	vmov s20;
	v8 =	vld.idx.msk [tilespmem:v1+s22+$0xFFFFFFC0 ss:$0x1], $0xffff  }
0x43: {  	v6 =	vld.idx.msk [tilespmem:v1+s22+$0xFFFFFFD0 ss:$0x1], $0xffff  }
0x44: {  	v4 =	vld.idx.msk [tilespmem:v1+s22+$0xFFFFFFE0 ss:$0x1], $0xffff  }
0x45: {  	v2 =	vld.idx.msk [tilespmem:v1+s22+$0xFFFFFFF0 ss:$0x1], $0xffff  }
0x46: {  	s31 =	sshll.u32 s15, $0xE;
	v3 =	vld.idx.msk [tilespmem:v1+s22+$0x0 ss:$0x1], $0xffff  }
0x47: {  	s20 =	sand.u32 $0x4000, s31;
	v5 =	vld.idx.msk [tilespmem:v1+s22+$0x10 ss:$0x1], $0xffff;
	[tilespmem:v0+s22+$0x0 ss:$0x1] =	vst.idx.msk $0xffff, v7  }
0x48: {  	s23 =	simm.s32 $0x400;
	s21 =	simm.s32 $0x80;
	s20 =	sor.u32 $0x8000, s20;
	[tilespmem:v0+s22+$0xFFFFFF90 ss:$0x1] =	vst.idx.msk $0xffff, v8;
	v7 =	vld.idx.msk [tilespmem:v1+s22+$0x20 ss:$0x1], $0xffff  }
.LBB1_3:
0x49: {  	p0 =	sne.s32 s23, $0xFE00;
	v8 =	vld.idx.msk [tilespmem:v1+s21+$0x30 ss:$0x1], $0xffff;
	[tilespmem:v0+s22+$0xFFFFFFA0 ss:$0x1] =	vst.idx.msk $0xffff, v6  }
0x4a: {  	v9 =	vld.idx.msk [tilespmem:v1+s21+$0xFFFFFFC0 ss:$0x1], $0xffff;
	[tilespmem:v0+s22+$0xFFFFFFB0 ss:$0x1] =	vst.idx.msk $0xffff, v4  }
0x4b: {  	v6 =	vld.idx.msk [tilespmem:v1+s21+$0xFFFFFFD0 ss:$0x1], $0xffff;
	[tilespmem:v0+s22+$0xFFFFFFC0 ss:$0x1] =	vst.idx.msk $0xffff, v2  }
.Ltmp3:
0x4c: {  	v4 =	vld.idx.msk [tilespmem:v1+s21+$0xFFFFFFE0 ss:$0x1], $0xffff;
	[tilespmem:v0+s22+$0xFFFFFFD0 ss:$0x1] =	vst.idx.msk $0xffff, v3;
	(pc) =	sbr.rel @p0 .LBB1_3-.Ltmp3, $4  }
0x4d: {  	v2 =	vld.idx.msk [tilespmem:v1+s21+$0xFFFFFFF0 ss:$0x1], $0xffff;
	[tilespmem:v0+s22+$0xFFFFFFE0 ss:$0x1] =	vst.idx.msk $0xffff, v5  }
0x4e: {  	v3 =	vld.idx.msk [tilespmem:v1+s21+$0x0 ss:$0x1], $0xffff;
	[tilespmem:v0+s22+$0xFFFFFFF0 ss:$0x1] =	vst.idx.msk $0xffff, v7;
	s22 =	smov.u32 s21  }
0x4f: {  	v5 =	vld.idx.msk [tilespmem:v1+s22+$0x10 ss:$0x1], $0xffff;
	[tilespmem:v0+s22+$0x0 ss:$0x1] =	vst.idx.msk $0xffff, v8  }
0x50: {  	s21 =	sshra.s32 s23, $0x2;
	s23 =	sadd.s32 $0x200, s23;
	[tilespmem:v0+s22+$0xFFFFFF90 ss:$0x1] =	vst.idx.msk $0xffff, v9;
	v7 =	vld.idx.msk [tilespmem:v1+s22+$0x20 ss:$0x1], $0xffff  }
.Ltmp4:
0x51: {  	_ = 	snop;
	(pc) =	sbr.rel .LBB1_4-.Ltmp4, $1  }
0x52: {  	_ =	sdelay $0x3  }
.LBB1_6:
0x53: {  	_ =	sfence.sel $0x180000  }
0x54: {  	s2 =	simm.s32 $0x1;
	[bflag:$0x0] =	sbarrier.arrive $0xFFFF  }
0x55: {  	s31 =	simm.s32 $0x2;
	[sflag:s2] =	ssyncpa.u1 $0x1  }
0x56: {  	[sflag:s31] =	ssyncpa.u1 $0x1  }
0x57: {  	p0 =	sne.s32 s0, $0x0;
	_ =	strace $0x90000047  }
0x58: {  	s0 =	sadd.s32 @!p0 $0x100000, s1;
	[bflag:$0x2] =	sbarrier.arrive $0xFFFF  }
0x59: {  	[sflag:s0] =	ssyncadd.tile.s32 @!p0 $0x1;
	_ =	shalt  }
.Lfunc_end1:
_tile_overlayer_lowered:
.L_overlay_start_2:
0x5a: {  	(tag) =	ssettag $0x2  }
0x5b: {  	s0 =	rddreg [dreg:$0x0];
	s2 =	stileid.u32  }
0x5c: {  	s1 =	rddreg [dreg:$0x1];
	p0 =	sne.s32 s2, $0x0  }
0x5d: {  	s3 =	rddreg [dreg:$0x2];
	[bflag:$0x3] =	sbarrier.arrive $0xFFFF;
	s2 =	simm.s32 @!p0 $0x1C01  }
0x5e: {  	[timem:s3], [sflag:s2] =	dma.local @!p0 [hbm:s0], s1  }
0x5f: {  	s0 =	simm.s32 @!p0 $0x1  }
0x60: {  	_ =	swait.ge @!p0 [sflag:s0], s1  }
0x61: {  	s1 =	ssub.s32 @!p0 $0x0, s1;
	[sflag:s0] =	ssyncset.done @!p0 $0x0  }
0x62: {  	[sflag:s0] =	ssyncadd.s32 @!p0 s1  }
0x63: {  	[bflag:$0x3] =	sbarrier.arrive $0xFFFF  }
0x64: {  	_ =	shalt  }

// kernel: sparse-core-data-format-call.cloned.1.call-start
scs
called_computation_lowered:
.L_overlay_start_0:
0x0: {  	s2 =	sld [smem:$0x3FD9]  }
0x1: {  	s3 =	sld [smem:$0x3FFE];
	_ =	sdelay $0x1  }
0x2: {  	s1 =	srdreg.scid  }
0x3: {  	s0 =	sand.u32 $0x1, s1  }
0x4: {  	s15 =	sshll.u32 s0, $0xA;
	s2 =	sadd.s32 s3, s2  }
0x5: {  	s2 =	sadd.s32 s2, s15  }
0x6: {  	[smem:$0x3FC3] =	sst s2  }
0x7: {  	_ = 	snop  }
0x8: {  	s2 =	sld [smem:$0x3FD0];
	_ =	sdelay $0x2  }
0x9: {  	s16 =	simm.s32 $0xA;
	s4 =	simm.s32 $0x10  }
0xa: {  	[smem:s4], [sflag:s16] =	dma.local [hbm:s2], $0x1  }
0xb: {  	_ =	swait.eq [sflag:s16], $0x1  }
0xc: {  	[sflag:s16] =	ssyncset.done $0x0  }
0xd: {  	[sflag:s16] =	ssyncadd.s32 $0xFFFFFFFF  }
0xe: {  	s17 =	sld [smem:$0x10];
	(tm) =	ssettm $0x1  }
0xf: {  	s18 =	sld [smem:$0x3FFB];
	_ =	sdelay $0x3  }
0x10: {  	_ =	strace s18  }
0x11: {  	s3 =	sld [smem:$0x3FFC];
	_ =	sdelay $0x3  }
0x12: {  	_ =	strace s3  }
0x13: {  	s3 =	sld [smem:$0x3FFD];
	_ =	sdelay $0x3  }
0x14: {  	_ =	strace s3  }
0x15: {  	_ =	strace $0x8FFFFFFF  }
0x16: {  	s19 =	sld [smem:$0x3FDB];
	_ =	sdelay $0x1  }
0x17: {  	s20 =	simm.s32 $_scs_section_size  }
0x18: {  	s5 =	simm.s32 $_size__tile_overlayer_lowered;
	s6 =	simm.s32 $_tile_overlayer_lowered  }
0x19: {  	s23 =	simm.s32 $0x1BFF;
	s22 =	sshll.u32 s6, $0x1;
	s3 =	sadd.s32 s20, s19  }
0x1a: {  	s7 =	simm.s32 $0x0;
	s21 =	sshll.u32 s5, $0x1;
	s5 =	sadd.s32 s22, s3  }
0x1b: {  	[timem:s7], [sflag:s23] =	dma.local [hbm:s5], s21  }
0x1c: {  	_ =	swait.ge [sflag:s23], s21  }
0x1d: {  	s4 =	ssub.s32 $0x0, s21;
	[sflag:s23] =	ssyncset.done $0x0  }
0x1e: {  	[sflag:s23] =	ssyncadd.s32 s4;
	_ =	sdelay $0x1  }
0x1f: {  	s24 =	simm.s32 $0x1B8B  }
0x20: {  	_ =	swait.ge [sflag:s24], $0x1  }
0x21: {  	[sflag:s24] =	ssyncset.done $0x0  }
0x22: {  	s26 =	simm.s32 $0x1B8E;
	s25 =	sld [smem:$0x3FFE];
	[sflag:s24] =	ssyncadd.s32 $0xFFFFFFFF  }
0x23: {  	s27 =	simm.s32 $execute0_lowered;
	[smem:$0x3FD2] =	sst s26  }
0x24: {  	s5 =	sshll.u32 s27, $0x1;
	_ =	strace $0x80000049;
	[dreg:$0x1] =	wrdreg $0xFFFFFFFF  }
0x25: {  	s28 =	simm.s32 $_size_execute0_lowered;
	s3 =	sadd.s32 s3, s5;
	[dreg:$0x0] =	wrdreg $0x0  }
0x26: {  	s5 =	sshll.u32 s28, $0x1;
	[dreg:$0x2] =	wrdreg s3  }
0x27: {  	[dreg:$0x3] =	wrdreg s5  }
0x28: {  	[dreg:$0x4] =	wrdreg $0xC0  }
0x29: {  	_ =	task [dreg:s7], $0x5FFFF  }
0x2a: {  	[dreg:$0x1] =	wrdreg $0xFFFFFFFF  }
0x2b: {  	[dreg:$0x0] =	wrdreg $0x60  }
0x2c: {  	[dreg:$0x2] =	wrdreg s25  }
0x2d: {  	[dreg:$0x3] =	wrdreg s17  }
0x2e: {  	[dreg:$0x4] =	wrdreg $0x9  }
0x2f: {  	_ =	task.clear_ibuf [dreg:s7], $0x5FFFF;
	_ =	strace $0x90000049  }
0x30: {  	s29 =	simm.s32 $0x9;
	_ =	strace $0x8000004B  }
0x31: {  	_ =	swait.ge [sflag:s29], $0x1  }
0x32: {  	[sflag:s29] =	ssyncadd.s32 $0xFFFFFFFF  }
0x33: {  	_ =	strace $0x9000004B  }
0x34: {  	_ =	sfence  }
0x35: {  	s30 =	sld [smem:$0x0];
	_ =	sdelay $0x2  }
0x36: {  	s31 =	sshll.u32 s1, $0xD;
	s1 =	sshrl.u32 s1, $0x2  }
0x37: {  	s3 =	sand.u32 $0x4000, s31;
	s1 =	sadd.s32 s1, s30  }
0x38: {  	s0 =	sor.u32 s3, s0;
	s1 =	sshll.u32 s1, $0x11  }
0x39: {  	s0 =	sor.u32 s1, s0  }
0x3a: {  	s0 =	sadd.s32 $0x8F2B, s0  }
0x3b: {  	[sflag:s0] =	ssyncadd.remote.s32 $0x1  }
0x3c: {  	_ =	sfence.sel $0xFFFF  }
0x3d: {  	[dreg:$0x0] =	wrdreg $0xFFFFFFFF;
	(pc) =	sbr.abs _section_cstart, $3  }
0x3e: {  	[dreg:$0x1] =	wrdreg $0xFFFFFFFF  }
0x3f: {  	_ =	task.clear_ibuf [dreg:s7], $0x2FFFF;
	_ =	strace $0x9FFFFFFF  }
0x40: {  	(tm) =	ssettm $0x7FFFFFFF  }
0x41: {  	_ =	shalt  }
tec
execute0_lowered:
.L_overlay_start_1:
0x0: {  	(tag) =	ssettag $0x1  }
0x1: {  	s0 =	srdreg.scid  }
0x2: {  	s6 =	rddreg [dreg:$0x0];
	s1 =	sshll.u32 s0, $0x4  }
0x3: {  	s4 =	simm.s32 $0x1;
	s0 =	stileid.u32;
	s1 =	sand.u32 $0x10, s1  }
0x4: {  	s31 =	simm.s32 $0x2;
	s15 =	simm.s32 $0x0;
	s1 =	sor.u32 s0, s1  }
0x5: {  	s8 =	simm.s32 $0x40000;
	s9 =	simm.s32 $0x0;
	s2 =	sshll.u32 s1, $0x3  }
0x6: {  	s16 =	simm.s32 $0x0;
	s18 =	simm.s32 $0x0;
	s1 =	ssub.s32 $0x200, s2  }
0x7: {  	s17 =	simm.s32 $0x0;
	s10 =	simm.s32 $0x0;
	s3 =	sand.u32 $0xF8, s1  }
0x8: {  	s11 =	simm.s32 $0x0;
	s13 =	simm.s32 $0x0;
	p0 =	sne.s32 s3, $0x0  }
.Ltmp0:
0x9: {  	s1 =	sshrl.u32 s1, $0x8;
	s4 =	simm.s32 @!p0 $0x0;
	(pc) =	sbr.rel .LBB1_1-.Ltmp0, $4  }
0xa: {  	s14 =	simm.s32 $0x0;
	s3 =	rddreg [dreg:$0x1];
	s1 =	sadd.s32 s4, s1  }
0xb: {  	_ =	strace $0x8000004A;
	s4 =	simm.s32 $0x1;
	s5 =	smul.u32 $0x18, s1  }
0xc: {  	s24 =	simm.s32 $0x0;
	s6 =	sadd.s32 $0x2000, s6;
	[sflag:s4] =	ssyncpa.u1 $0x0  }
0xd: {  	s12 =	smov.u32 s2;
	[sflag:s31] =	ssyncpa.u1 $0x0;
	s7 =	sor.u32 $0x1, s5  }
.LBB1_7:
0xe: {  	s1 =	sadd.s32 $0x100, s10  }
0xf: {  	s15 =	sadd.s32 $0x8, s11;
	s19 =	smov.u32 s11;
	p1 =	sgt.s32 s1, $0x1FF  }
0x10: {  	s19 =	smov.u32 @p1 s15  }
0x11: {  	s20 =	smov.u32 s12;
	s15 =	sadd.s32 $0x100, s12;
	p2 =	sgt.s32 s19, $0x7  }
0x12: {  	s20 =	smov.u32 @p2 s15  }
0x13: {  	s15 =	simm.s32 $0x1;
	p3 =	sgt.s32 s20, $0x1FF  }
0x14: {  	s15 =	simm.s32 @!p3 $0x0  }
0x15: {  	p0 =	slt.u32 s14, $0x2;
	s22 =	sadd.s32 s15, s13  }
0x16: {  	s16 =	smov.u32 s11;
	s1 =	simm.s32 @p1 $0x0;
	p1 =	sgt.s32 s22, $0xB  }
0x17: {  	s21 =	simm.s32 @!p0 $0x2;
	s22 =	simm.s32 @p1 $0x0;
	p1 =	sne.s32 s14, s7  }
.Ltmp1:
0x18: {  	s18 =	smov.u32 s12;
	_ =	swait.ge @!p0 [sflag:s21], $0x4000;
	(pc) =	sbr.rel @!p1 .LBB1_8-.Ltmp1, $4  }
0x19: {  	s17 =	smov.u32 s13;
	[sflag:s21] =	ssyncset.done @!p0 $0x0;
	s19 =	simm.s32 @p2 $0x0  }
0x1a: {  	s9 =	sadd.s32 $0x4000, s9;
	[sflag:s21] =	ssyncadd.s32 @!p0 $0xFFFFC000;
	s11 =	smov.u32 s19  }
0x1b: {  	s20 =	smov.u32 @p3 s2;
	s15 =	smov.u32 s10;
	s10 =	smov.u32 s1  }
0x1c: {  	s12 =	smov.u32 s20;
	s14 =	sadd.s32 $0x1, s14;
	s13 =	smov.u32 s22  }
.LBB1_1:
0x1d: {  	p0 =	sge.u32 s14, s5  }
0x1e: {  	s31 =	sadd.s32 $0xFFFFFFFF, s14;
	s1 =	sxor.u32 @!p0 $0xFFFFFFFF, s14;
	s19 =	sshll.u32 @!p0 s10, $0x3  }
0x1f: {  	s20 =	sshll.u32 @!p0 s11, $0x7;
	s21 =	sand.u32 @!p0 $0x78, s10;
	s22 =	sshll.u32 @!p0 s13, $0x12  }
0x20: {  	s23 =	sshll.u32 @!p0 s12, $0x9;
	s1 =	sshll.u32 @!p0 s1, $0xE;
	s20 =	sand.u32 @!p0 $0x380, s20  }
0x21: {  	s19 =	sand.u32 @!p0 $0xC00, s19;
	s1 =	sand.u32 @!p0 $0x4000, s1;
	s20 =	sor.u32 @!p0 s21, s20  }
0x22: {  	s21 =	sand.u32 @!p0 $0x7, s10;
	s19 =	sor.u32 @!p0 s19, s20;
	s20 =	sadd.s32 @!p0 s6, s22  }
0x23: {  	s21 =	sshll.u32 @!p0 s21, $0x12;
	s19 =	sshrl.u32 @!p0 s19, $0x3;
	s20 =	sadd.s32 @!p0 s23, s20  }
0x24: {  	s19 =	sadd.s32 @!p0 s19, s20;
	s20 =	sor.u32 @!p0 $0x800, s21;
	s21 =	simm.s32 @!p0 $0x1000  }
0x25: {  	[tilespmem:s1], [sflag:$0x1] =	stream.strided.gather @!p0 [hbm4b:s19+s20], $0x4000, s21, s20, $0x38;
	[tilespmem:$0x10000] =	vst v63  }
0x26: {  	p0 =	sge.u32 s31, s5  }
.Ltmp2:
0x27: {  	_ = 	snop;
	(pc) =	sbr.rel @p0 .LBB1_7-.Ltmp2, $1  }
0x28: {  	_ =	sdelay $0x3  }
0x29: {  	s1 =	sshll.u32 s9, $0x2;
	_ =	swait.ge [sflag:s4], $0x4000;
	s19 =	sshll.u32 s14, $0xE  }
0x2a: {  	p0 =	por $0x0, $0x0;
	s25 =	simm.s32 $0x0;
	s26 =	simm.s32 $0x0  }
0x2b: {  	s1 =	sand.u32 $0x10000, s1;
	[sflag:s4] =	ssyncset.done $0x0;
	s22 =	sand.u32 $0x4000, s19  }
0x2c: {  	s1 =	sshrl.u32 s1, $0x2;
	[sflag:s4] =	ssyncadd.s32 $0xFFFFC000;
	s19 =	sor.u32 $0x8000, s22  }
0x2d: {  	s20 =	sor.u32 $0x40, s1;
	s21 =	sor.u32 $0x8410, s1;
	s23 =	sadd.s32 $0x8400, s1  }
.LBB1_3:
0x2e: {  	v1 =	vld [tilespmem:s20+$0xFFFFFFD0]  }
0x2f: {  	v2 =	vld [tilespmem:s20+$0x430]  }
0x30: {  	s1 =	sshll.u32 s26, $0xB;
	v4 =	vld [tilespmem:s20+$0xFFFFFFE0]  }
0x31: {  	v7 =	vld [tilespmem:s20+$0xFFFFFFF0];
	v0 =	vmov s1  }
0x32: {  	v8 =	vld [tilespmem:s20+$0x0]  }
0x33: {  	v9 =	vld [tilespmem:s20+$0x10];
	s1 =	sand.u32 $0x300, s24  }
0x34: {  	s27 =	sand.u32 $0x80, s24;
	v10 =	vld [tilespmem:s20+$0x20];
	s1 =	sadd.s32 s1, s22  }
0x35: {  	v11 =	vld [tilespmem:s20+$0x30];
	s1 =	sadd.s32 s27, s1;
	s27 =	simm.s32 $0x1;
	[tilespmem:s21+$0x60] =	vst v2  }
0x36: {  	s27 =	simm.s32 @!p0 $0x0;
	[tilespmem:s21+$0xFFFFFC00] =	vst v1;
	v3 =	vld.idx.msk [tilespmem:v0+s1+$0x400 ss:$0x1], $0xffff;
	s1 =	sshll.u32 s25, $0x2  }
0x37: {  	v6 =	vld [tilespmem:s20+$0x3D0];
	s27 =	sshll.u32 s27, $0x9;
	[tilespmem:s21+$0xFFFFFC10] =	vst v4;
	s1 =	sand.u32 $0xFFFFFC00, s1  }
0x38: {  	v5 =	vld [tilespmem:s20+$0x3E0];
	[tilespmem:s21+$0xFFFFFC20] =	vst v7;
	s1 =	sor.u32 s27, s1  }
0x39: {  	[tilespmem:s21+$0xFFFFFC30] =	vst v8;
	v4 =	vld [tilespmem:s20+$0x400];
	s1 =	sshrl.u32 s1, $0x2  }
0x3a: {  	[tilespmem:s21+$0xFFFFFC40] =	vst v9;
	v1 =	vld [tilespmem:s20+$0x410];
	s27 =	sadd.s32 s1, s23  }
0x3b: {  	[tilespmem:s27+$0x0] =	vst v3;
	v3 =	vld [tilespmem:s20+$0x3F0]  }
0x3c: {  	s31 =	simm.s32 $0x80;
	s30 =	simm.s32 $0x100;
	[tilespmem:s21+$0xFFFFFC50] =	vst v10;
	v2 =	vld [tilespmem:s20+$0x420]  }
0x3d: {  	s28 =	sadd.s32 $0x80, s20;
	s29 =	smov.u32 s21;
	v7 =	vld [tilespmem:s20+$0xFFFFFFC0];
	[tilespmem:s21+$0xFFFFFC60] =	vst v11;
	s1 =	sand.u32 $0x300, s31  }
.LBB1_4:
0x3e: {  	p1 =	sne.s32 s30, $0x380;
	v8 =	vld [tilespmem:s28+$0xFFFFFFD0];
	s31 =	sand.u32 $0x80, s31;
	s1 =	sadd.s32 s1, s22;
	[tilespmem:s29+$0x0] =	vst v6  }
0x3f: {  	s1 =	sadd.s32 s31, s1;
	v6 =	vld [tilespmem:s28+$0x430];
	[tilespmem:s29+$0x10] =	vst v5;
	s31 =	smov.u32 s30  }
0x40: {  	v5 =	vld.idx.msk [tilespmem:v0+s1+$0x400 ss:$0x1], $0xffff;
	[tilespmem:s29+$0x20] =	vst v3  }
0x41: {  	v3 =	vld [tilespmem:s28+$0xFFFFFFE0];
	[tilespmem:s29+$0x30] =	vst v4  }
0x42: {  	v4 =	vld [tilespmem:s28+$0xFFFFFFF0];
	[tilespmem:s29+$0xFFFFFBF0] =	vst v7  }
0x43: {  	v7 =	vld [tilespmem:s28+$0x0];
	[tilespmem:s29+$0x40] =	vst v1  }
0x44: {  	v1 =	vld [tilespmem:s28+$0x10];
	[tilespmem:s29+$0x50] =	vst v2;
	s29 =	sadd.s32 $0x800, s29  }
0x45: {  	s27 =	sadd.s32 $0x800, s27;
	v2 =	vld [tilespmem:s28+$0x20];
	[tilespmem:s29+$0x60] =	vst v6  }
0x46: {  	v9 =	vld [tilespmem:s28+$0x30];
	[tilespmem:s27+$0x0] =	vst v5  }
0x47: {  	[tilespmem:s29+$0xFFFFFC00] =	vst v8;
	v6 =	vld [tilespmem:s28+$0x3D0]  }
0x48: {  	[tilespmem:s29+$0xFFFFFC10] =	vst v3;
	v5 =	vld [tilespmem:s28+$0x3E0]  }
.Ltmp3:
0x49: {  	[tilespmem:s29+$0xFFFFFC20] =	vst v4;
	v3 =	vld [tilespmem:s28+$0x3F0];
	(pc) =	sbr.rel @p1 .LBB1_4-.Ltmp3, $4  }
0x4a: {  	[tilespmem:s29+$0xFFFFFC30] =	vst v7;
	v4 =	vld [tilespmem:s28+$0x400]  }
0x4b: {  	[tilespmem:s29+$0xFFFFFC40] =	vst v1;
	v1 =	vld [tilespmem:s28+$0x410]  }
0x4c: {  	[tilespmem:s29+$0xFFFFFC50] =	vst v2;
	v2 =	vld [tilespmem:s28+$0x420]  }
0x4d: {  	s30 =	sadd.s32 $0x80, s30;
	s1 =	sand.u32 $0x300, s31;
	v7 =	vld [tilespmem:s28+$0xFFFFFFC0];
	[tilespmem:s29+$0xFFFFFC60] =	vst v9;
	s28 =	sadd.s32 $0x80, s28  }
0x4e: {  	[tilespmem:s29+$0x0] =	vst v6  }
0x4f: {  	[tilespmem:s29+$0x10] =	vst v5  }
0x50: {  	v49 =	vld [tilespmem:s28+$0x430];
	[tilespmem:s29+$0x20] =	vst v3  }
0x51: {  	v50 =	vld [tilespmem:s28+$0xFFFFFFD0];
	[tilespmem:s29+$0x30] =	vst v4  }
0x52: {  	v51 =	vld [tilespmem:s28+$0xFFFFFFE0];
	[tilespmem:s29+$0x40] =	vst v1  }
0x53: {  	v52 =	vld [tilespmem:s28+$0xFFFFFFF0];
	[tilespmem:s29+$0x50] =	vst v2  }
0x54: {  	s30 =	sand.u32 $0x80, s31;
	s31 =	sadd.s32 $0x800, s29;
	v53 =	vld [tilespmem:s28+$0x0];
	[tilespmem:s29+$0xFFFFFBF0] =	vst v7  }
0x55: {  	v54 =	vld [tilespmem:s28+$0x10];
	[tilespmem:s31+$0x60] =	vst v49  }
0x56: {  	v55 =	vld [tilespmem:s28+$0x20];
	[tilespmem:s31+$0xFFFFFC00] =	vst v50  }
0x57: {  	v56 =	vld [tilespmem:s28+$0x30];
	[tilespmem:s31+$0xFFFFFC10] =	vst v51  }
0x58: {  	v57 =	vld [tilespmem:s28+$0x3D0];
	[tilespmem:s31+$0xFFFFFC20] =	vst v52  }
0x59: {  	v58 =	vld [tilespmem:s28+$0x3E0];
	[tilespmem:s31+$0xFFFFFC30] =	vst v53  }
0x5a: {  	v59 =	vld [tilespmem:s28+$0x3F0];
	[tilespmem:s31+$0xFFFFFC40] =	vst v54  }
0x5b: {  	v60 =	vld [tilespmem:s28+$0x400];
	[tilespmem:s31+$0xFFFFFC50] =	vst v55  }
0x5c: {  	v61 =	vld [tilespmem:s28+$0xFFFFFFC0];
	[tilespmem:s31+$0xFFFFFC60] =	vst v56  }
0x5d: {  	s1 =	sadd.s32 s1, s22;
	v62 =	vld [tilespmem:s28+$0x410];
	[tilespmem:s31+$0x0] =	vst v57  }
0x5e: {  	v63 =	vld [tilespmem:s28+$0x420];
	s26 =	sadd.s32 $0x1, s26;
	s1 =	sadd.s32 s30, s1;
	[tilespmem:s31+$0x10] =	vst v58  }
0x5f: {  	p1 =	sne.s32 s26, $0x8;
	v0 =	vld.idx.msk [tilespmem:v0+s1+$0x400 ss:$0x1], $0xffff;
	[tilespmem:s31+$0x20] =	vst v59  }
.Ltmp4:
0x60: {  	[tilespmem:s31+$0x30] =	vst v60;
	(pc) =	sbr.rel @p1 .LBB1_3-.Ltmp4, $4  }
0x61: {  	[tilespmem:s31+$0xFFFFFBF0] =	vst v61  }
0x62: {  	[tilespmem:s31+$0x40] =	vst v62  }
0x63: {  	s27 =	sadd.s32 $0x800, s27;
	s20 =	sadd.s32 $0x800, s20;
	[tilespmem:s31+$0x50] =	vst v63  }
0x64: {  	s25 =	sadd.s32 $0x80, s25;
	p0 =	por !p0, !p0;
	s21 =	sadd.s32 $0x80, s21;
	[tilespmem:s27+$0x0] =	vst v0  }
0x65: {  	s1 =	sand.u32 $0x78, s15  }
0x66: {  	s20 =	sshll.u32 s18, $0x9;
	s21 =	sshll.u32 s15, $0x3;
	s27 =	sshll.u32 s18, $0x7  }
0x67: {  	s17 =	sshll.u32 s17, $0x12;
	s16 =	sshll.u32 s16, $0xF;
	s30 =	sand.u32 $0x7, s15  }
0x68: {  	s20 =	sand.u32 $0x3F000, s20;
	s21 =	sand.u32 $0x3FC00, s21;
	s28 =	sand.u32 $0x200, s27  }
0x69: {  	s18 =	sand.u32 $0x180, s27;
	s17 =	sadd.s32 s3, s17;
	s20 =	sadd.s32 s20, s21  }
.Ltmp5:
0x6a: {  	s1 =	sor.u32 s18, s1;
	s20 =	sor.u32 s28, s20;
	(pc) =	sbr.rel .LBB1_7-.Ltmp5, $4  }
0x6b: {  	s16 =	sadd.s32 s16, s17;
	s1 =	sshrl.u32 s1, $0x3;
	s29 =	sshrl.u32 s20, $0x3  }
0x6c: {  	s15 =	sshll.u32 s30, $0x12;
	s1 =	sadd.s32 s1, s16;
	s31 =	sand.u32 $0x7FC0, s29  }
0x6d: {  	s15 =	sor.u32 $0x800, s15;
	s1 =	sadd.s32 s31, s1  }
0x6e: {  	[hbm4b:s1+s15] =	stream.strided.scatter [tilespmem:s19], [sflag:$0x2], $0x4000, s8, s15, $0x38;
	[tilespmem:$0x10000] =	vst v63  }
.LBB1_8:
0x6f: {  	_ =	sfence.sel $0x180000  }
0x70: {  	s1 =	simm.s32 $0x1;
	[bflag:$0x0] =	sbarrier.arrive $0xFFFF  }
0x71: {  	s31 =	simm.s32 $0x2;
	[sflag:s1] =	ssyncpa.u1 $0x1  }
0x72: {  	[sflag:s31] =	ssyncpa.u1 $0x1  }
0x73: {  	_ =	strace $0x9000004A  }
0x74: {  	[bflag:$0x2] =	sbarrier.arrive $0xFFFF  }
0x75: {  	p0 =	sne.s32 s0, $0x0;
	s0 =	rddreg [dreg:$0x2]  }
0x76: {  	s0 =	sadd.s32 @!p0 $0x100000, s0  }
0x77: {  	[sflag:s0] =	ssyncadd.tile.s32 @!p0 $0x1;
	_ =	shalt  }
.Lfunc_end1:
_tile_overlayer_lowered:
.L_overlay_start_2:
0x78: {  	(tag) =	ssettag $0x2  }
0x79: {  	s0 =	rddreg [dreg:$0x0];
	s2 =	stileid.u32  }
0x7a: {  	s1 =	rddreg [dreg:$0x1];
	p0 =	sne.s32 s2, $0x0  }
0x7b: {  	s3 =	rddreg [dreg:$0x2];
	[bflag:$0x3] =	sbarrier.arrive $0xFFFF;
	s2 =	simm.s32 @!p0 $0x1C01  }
0x7c: {  	[timem:s3], [sflag:s2] =	dma.local @!p0 [hbm:s0], s1  }
0x7d: {  	s0 =	simm.s32 @!p0 $0x1  }
0x7e: {  	_ =	swait.ge @!p0 [sflag:s0], s1  }
0x7f: {  	s1 =	ssub.s32 @!p0 $0x0, s1;
	[sflag:s0] =	ssyncset.done @!p0 $0x0  }
0x80: {  	[sflag:s0] =	ssyncadd.s32 @!p0 s1  }
0x81: {  	[bflag:$0x3] =	sbarrier.arrive $0xFFFF  }
0x82: {  	_ =	shalt  }

</sc_bundles>
